<compile_context>
chip_gen: v7x
topology: tpu7x:2x2x1
jax: 0.10.2.dev20260603
libtpu: 0.0.44.dev20260713+nightly
codegen_flags: <defaults>
</compile_context>

<pallas_src>
import functools

import jax
import jax.numpy as jnp
from jax import lax
from jax.experimental import pallas as pl
from jax.experimental.pallas import tpu as pltpu
from jax.experimental.pallas import tpu_sc as plsc

_NC, _NS, _L = 2, 16, 16
_NW = _NC * _NS
_R_SC = 2048
_ROWS_W = _R_SC // _NW
_GROUPS = _ROWS_W // _L
_BB_TC = 1024



def _sc_body(state_hbm, lid_hbm, latents_hbm, wt_hbm, b_hbm, out_hbm,
             x_sh, x_v, wt_v, b_v, lat_v, out_v, idx_v, sem):
    cid = lax.axis_index("c")
    sid = lax.axis_index("s")
    wid = sid * _NC + cid
    base = wid * _ROWS_W
    dim_state = wt_hbm.shape[1]
    rows_sc = _R_SC // _NC
    rows_rnd = x_sh.shape[0]
    rows_tec_rnd = rows_rnd // _NS

    pltpu.sync_copy(state_hbm.at[pl.ds(base, _ROWS_W)],
                    x_v.at[:, pl.ds(0, dim_state)])

    _BISECT_DMA_ONLY = True
    if _BISECT_DMA_ONLY:
        pltpu.sync_copy(out_v, out_hbm.at[pl.ds(base, _ROWS_W)])
        return

    iota = lax.iota(jnp.int32, _L)
    row_ids = [iota + g * _L for g in range(_GROUPS)]
    bvec = b_v[...]
    bs = [bvec[n] for n in range(4)]

    def k_chunk(jc, accs):
        j0 = jc * _L
        wchunks = [wt_v[n, pl.ds(j0, _L)] for n in range(4)]
        accs = list(accs)
        for jj in range(_L):
            col = jnp.full((_L,), j0 + jj, jnp.int32)
            xcols = [plsc.load_gather(x_v, [row_ids[g], col])
                     for g in range(_GROUPS)]
            for g in range(_GROUPS):
                for n in range(4):
                    accs[g * 4 + n] = accs[g * 4 + n] + xcols[g] * wchunks[n][jj]
        return tuple(accs)

    accs = lax.fori_loop(
        0, dim_state // _L, k_chunk,
        tuple(jnp.zeros((_L,), jnp.float32) for _ in range(_GROUPS * 4)))

    lats = [[lat_v[0, n, pl.ds(c * _L, _L)] for c in range(8)]
            for n in range(4)]
    for g in range(_GROUPS):
        es = [jnp.exp(accs[g * 4 + n] + bs[n]) for n in range(4)]
        inv = 1.0 / (es[0] + es[1] + es[2] + es[3])
        gates = [es[n] * inv for n in range(4)]
        for r in range(_L):
            gs = [gates[n][r] for n in range(4)]
            row = g * _L + r
            for c in range(8):
                acc = gs[0] * lats[0][c]
                for n in range(1, 4):
                    acc = acc + gs[n] * lats[n][c]
                out_v[row, pl.ds(c * _L, _L)] = acc

    pltpu.sync_copy(out_v, out_hbm.at[pl.ds(base, _ROWS_W)])


def _sc_half(state, lid, latents, Wt, b):
    num_latents, num_sets, dim_latent = latents.shape
    dim_state = state.shape[1]
    return pl.kernel(
        _sc_body,
        out_type=jax.ShapeDtypeStruct((_R_SC, dim_latent), jnp.float32),
        mesh=plsc.VectorSubcoreMesh(core_axis_name="c", subcore_axis_name="s"),
        scratch_types=[
            pltpu.VMEM_SHARED((_R_SC // _NC // 2, dim_state),
                              jnp.float32),
            pltpu.VMEM((_ROWS_W, dim_state + 1), jnp.float32),
            pltpu.VMEM((num_sets, dim_state), jnp.float32),
            pltpu.VMEM((_L,), jnp.float32),
            pltpu.VMEM((1, num_sets, dim_latent), jnp.float32),
            pltpu.VMEM((_ROWS_W, dim_latent), jnp.float32),
            pltpu.VMEM((1,), jnp.int32),
            pltpu.SemaphoreType.DMA,
        ],
        compiler_params=pltpu.CompilerParams(
            needs_layout_passes=False, use_tc_tiling_on_sc=False),
    )(state, lid, latents, Wt, b)



def _tc_kernel(lid_ref, state_ref, latents_ref, w_ref, b_ref, out_ref):
    x = state_ref[...]
    w = w_ref[...]
    logits = jnp.dot(x, w, preferred_element_type=jnp.float32) + b_ref[...]
    e = jnp.exp(logits)
    gates = e / jnp.sum(e, axis=-1, keepdims=True)
    lat = latents_ref[0]
    out_ref[...] = jnp.dot(gates, lat, preferred_element_type=jnp.float32)


def _tc_half(state, lid, latents, W, b):
    batch, dim_state = state.shape
    _, num_sets, dim_latent = latents.shape
    rows = batch - _R_SC
    base_blk = _R_SC // _BB_TC

    return pl.pallas_call(
        _tc_kernel,
        grid_spec=pltpu.PrefetchScalarGridSpec(
            num_scalar_prefetch=1,
            grid=(rows // _BB_TC,),
            in_specs=[
                pl.BlockSpec((_BB_TC, dim_state),
                             lambda i, lid_ref: (base_blk + i, 0)),
                pl.BlockSpec((1, num_sets, dim_latent),
                             lambda i, lid_ref: (lid_ref[0], 0, 0)),
                pl.BlockSpec((dim_state, num_sets), lambda i, lid_ref: (0, 0)),
                pl.BlockSpec((num_sets,), lambda i, lid_ref: (0,)),
            ],
            out_specs=pl.BlockSpec((_BB_TC, dim_latent),
                                   lambda i, lid_ref: (i, 0)),
        ),
        out_shape=jax.ShapeDtypeStruct((rows, dim_latent), jnp.float32),
        compiler_params=pltpu.CompilerParams(
            dimension_semantics=("parallel",),
        ),
    )(lid, state, latents, W, b)


def kernel(state, latent_id, latents, W, b):
    lid = jnp.asarray(latent_id, jnp.int32).reshape(1)
    out_sc = _sc_half(state, lid, latents, W.T, b)
    out_tc = _tc_half(state, lid, latents, W, b)
    return jnp.concatenate([out_sc, out_tc], axis=0)

# --- scband reference (transcript-rebuilt; emitter-appended) ---
"""Pipeline reference for scband-latent-gene-pool-19164144075000 (READ-ONLY COPY).

The authoritative reference and input builder live on the scoring server;
editing this copy changes nothing except your own understanding.
"""

import jax, jax.numpy as jnp
import numpy as np

NUM_LATENTS = 100000
NUM_LATENT_SETS = 4
DIM_LATENT = 128
DIM_STATE = 1024
BATCH = 4096

def setup_inputs(seed: int = 0) -> dict:
    key = jax.random.key(seed)
    k1, k2, k3 = jax.random.split(key, 3)
    state = jax.random.normal(k1, (BATCH, DIM_STATE), dtype=jnp.float32)
    # learned (non-grad) latent gene pool parameter
    latents = jax.random.normal(k2, (NUM_LATENTS, NUM_LATENT_SETS, DIM_LATENT), dtype=jnp.float32)
    # to_latent_gate = Linear(dim_state, num_latent_sets) followed by softmax
    W = jax.random.normal(k3, (DIM_STATE, NUM_LATENT_SETS), dtype=jnp.float32) * 0.02
    b = jnp.zeros((NUM_LATENT_SETS,), dtype=jnp.float32)
    return {"state": state, "latent_id": 7, "latents": latents, "W": W, "b": b}

def reference(state, latent_id, latents, W, b):
    # latent = self.latents[latent_id]  -> [n, g]  (single-row gather from big table)
    latent = jnp.take(latents, latent_id, axis=0)
    # gates = softmax(Linear(state))   -> [b, n]
    gates = jax.nn.softmax(state @ W + b, axis=-1)
    # einsum('n g, b n -> b g')
    out = jnp.einsum('ng,bn->bg', latent, gates)
    return out

if __name__ == "__main__":
    import jax
    _d = setup_inputs()
    print(jax.jit(kernel)(*tuple(_d.values())))

</pallas_src>

<mosaic_0001>
#map = affine_map<(d0, d1) -> (0, 0)>
#map1 = affine_map<(d0, d1) -> (0)>
#map2 = affine_map<(d0, d1) -> (0, 0, 0)>
module attributes {stable_mosaic.version = 14 : i64} {
  func.func @_sc_body(%arg0: i32, %arg1: i32, %arg2: memref<4096x1024xf32, #tpu.memory_space<hbm>>, %arg3: memref<1xi32, #tpu.memory_space<hbm>>, %arg4: memref<100000x4x128xf32, #tpu.memory_space<hbm>>, %arg5: memref<4x1024xf32, #tpu.memory_space<hbm>>, %arg6: memref<4xf32, #tpu.memory_space<hbm>>, %arg7: memref<2048x128xf32, #tpu.memory_space<hbm>>, %arg8: memref<512x1024xf32, #tpu.memory_space<vmem_shared>>, %arg9: memref<64x1025xf32, #tpu.memory_space<vmem>>, %arg10: memref<4x1024xf32, #tpu.memory_space<vmem>>, %arg11: memref<16xf32, #tpu.memory_space<vmem>>, %arg12: memref<1x4x128xf32, #tpu.memory_space<vmem>>, %arg13: memref<64x128xf32, #tpu.memory_space<vmem>>, %arg14: memref<1xi32, #tpu.memory_space<vmem>>, %arg15: memref<!tpu.dma_semaphore, #tpu.memory_space<semaphore_mem>>) attributes {dimension_semantics = [#tpu.dimension_semantics<core_parallel>, #tpu.dimension_semantics<subcore_parallel>], iteration_bounds = array<i64: 2, 16>, scalar_prefetch = 0 : i64, scratch_operands = 8 : i64, tpu.core_type = #tpu.core_type<sc_vector_subcore>, window_params = [{transform_indices = #map}, {transform_indices = #map1}, {transform_indices = #map2}, {transform_indices = #map}, {transform_indices = #map1}, {transform_indices = #map}]} {
    %mul3A = arith.constant 2 : i32
    %mul3A_0 = arith.muli %arg1, %mul3A : i32
    %add3A = arith.addi %mul3A_0, %arg0 : i32
    %mul3A_1 = arith.constant 64 : i32
    %mul3A_2 = arith.muli %add3A, %mul3A_1 : i32
    "tpu.region"() ({
      %run_scoped3A = tpu.sem_alloc : memref<!tpu.dma_semaphore, #tpu.memory_space<semaphore_mem>>
      %dma_start3A = arith.constant 0 : i32
      %dma_start3A_3 = arith.constant 0 : i32
      %dma_start3A_4 = tpu.memref_slice %arg9[%dma_start3A, %dma_start3A_3] : memref<64x1025xf32, #tpu.memory_space<vmem>> -> memref<64x1024xf32, #tpu.memory_space<vmem>>
      %dma_start3A_5 = arith.constant 0 : i32
      %dma_start3A_6 = tpu.memref_slice %arg2[%mul3A_2, %dma_start3A_5] : memref<4096x1024xf32, #tpu.memory_space<hbm>> -> memref<64x1024xf32, #tpu.memory_space<hbm>>
      %dma_start3A_7 = arith.constant 0 : i32
      %dma_start3A_8 = arith.constant 0 : i32
      %dma_start3A_9 = tpu.memref_slice %arg9[%dma_start3A_7, %dma_start3A_8] : memref<64x1025xf32, #tpu.memory_space<vmem>> -> memref<64x1024xf32, #tpu.memory_space<vmem>>
      %dma_start3A_10 = arith.constant 0 : i32
      %dma_start3A_11 = tpu.memref_slice %arg2[%mul3A_2, %dma_start3A_10] : memref<4096x1024xf32, #tpu.memory_space<hbm>> -> memref<64x1024xf32, #tpu.memory_space<hbm>>
      tpu.enqueue_dma source(%dma_start3A_11 : memref<64x1024xf32, #tpu.memory_space<hbm>>) target(%dma_start3A_9 : memref<64x1024xf32, #tpu.memory_space<vmem>>) target_semaphore(%run_scoped3A : memref<!tpu.dma_semaphore, #tpu.memory_space<semaphore_mem>>)
      %dma_wait3A = arith.constant 0 : i32
      %dma_wait3A_12 = arith.constant 0 : i32
      %dma_wait3A_13 = tpu.memref_slice %arg9[%dma_wait3A, %dma_wait3A_12] : memref<64x1025xf32, #tpu.memory_space<vmem>> -> memref<64x1024xf32, #tpu.memory_space<vmem>>
      %dma_wait3A_14 = arith.constant 0 : i32
      %dma_wait3A_15 = tpu.memref_slice %arg2[%mul3A_2, %dma_wait3A_14] : memref<4096x1024xf32, #tpu.memory_space<hbm>> -> memref<64x1024xf32, #tpu.memory_space<hbm>>
      %dma_wait3A_16 = arith.constant 0 : i32
      %dma_wait3A_17 = arith.constant 0 : i32
      %dma_wait3A_18 = tpu.memref_slice %arg9[%dma_wait3A_16, %dma_wait3A_17] : memref<64x1025xf32, #tpu.memory_space<vmem>> -> memref<64x1024xf32, #tpu.memory_space<vmem>>
      %dma_wait3A_19 = arith.constant 0 : i32
      %dma_wait3A_20 = tpu.memref_slice %arg2[%mul3A_2, %dma_wait3A_19] : memref<4096x1024xf32, #tpu.memory_space<hbm>> -> memref<64x1024xf32, #tpu.memory_space<hbm>>
      tpu.wait_dma2 semaphore(%run_scoped3A : memref<!tpu.dma_semaphore, #tpu.memory_space<semaphore_mem>>) src(%dma_wait3A_20 : memref<64x1024xf32, #tpu.memory_space<hbm>>) dst(%dma_wait3A_18 : memref<64x1024xf32, #tpu.memory_space<vmem>>)
      tpu.yield
    }) : () -> ()
    "tpu.region"() ({
      %run_scoped3A = tpu.sem_alloc : memref<!tpu.dma_semaphore, #tpu.memory_space<semaphore_mem>>
      %dma_start3A = arith.constant 0 : i32
      %dma_start3A_3 = tpu.memref_slice %arg7[%mul3A_2, %dma_start3A] : memref<2048x128xf32, #tpu.memory_space<hbm>> -> memref<64x128xf32, #tpu.memory_space<hbm>>
      %dma_start3A_4 = arith.constant 0 : i32
      %dma_start3A_5 = tpu.memref_slice %arg7[%mul3A_2, %dma_start3A_4] : memref<2048x128xf32, #tpu.memory_space<hbm>> -> memref<64x128xf32, #tpu.memory_space<hbm>>
      tpu.enqueue_dma source(%arg13 : memref<64x128xf32, #tpu.memory_space<vmem>>) target(%dma_start3A_5 : memref<64x128xf32, #tpu.memory_space<hbm>>) target_semaphore(%run_scoped3A : memref<!tpu.dma_semaphore, #tpu.memory_space<semaphore_mem>>)
      %dma_wait3A = arith.constant 0 : i32
      %dma_wait3A_6 = tpu.memref_slice %arg7[%mul3A_2, %dma_wait3A] : memref<2048x128xf32, #tpu.memory_space<hbm>> -> memref<64x128xf32, #tpu.memory_space<hbm>>
      %dma_wait3A_7 = arith.constant 0 : i32
      %dma_wait3A_8 = tpu.memref_slice %arg7[%mul3A_2, %dma_wait3A_7] : memref<2048x128xf32, #tpu.memory_space<hbm>> -> memref<64x128xf32, #tpu.memory_space<hbm>>
      tpu.wait_dma2 semaphore(%run_scoped3A : memref<!tpu.dma_semaphore, #tpu.memory_space<semaphore_mem>>) src(%arg13 : memref<64x128xf32, #tpu.memory_space<vmem>>) dst(%dma_wait3A_8 : memref<64x128xf32, #tpu.memory_space<hbm>>)
      tpu.yield
    }) : () -> ()
    return
  }
}

module attributes {stable_mosaic.version = 14 : i64} {
  func.func @_tc_kernel(%arg0: i32, %arg1: memref<1xi32, #tpu.memory_space<smem>>, %arg2: memref<1024x1024xf32, #tpu.memory_space<vmem>>, %arg3: memref<1x4x128xf32, #tpu.memory_space<vmem>>, %arg4: memref<1024x4xf32, #tpu.memory_space<vmem>>, %arg5: memref<4xf32, #tpu.memory_space<vmem>>, %arg6: memref<1024x128xf32, #tpu.memory_space<vmem>>) attributes {dimension_semantics = [#tpu.dimension_semantics<parallel>], iteration_bounds = array<i64: 2>, scalar_prefetch = 1 : i64, scratch_operands = 0 : i64, tpu.core_type = #tpu.core_type<tc>, window_params = [{transform_indices = @transform_0, window_bounds = array<i64: 1024, 1024>}, {transform_indices = @transform_1, window_bounds = array<i64: 1, 4, 128>}, {pipeline_mode = #tpu.pipeline_mode<synchronous>, transform_indices = @transform_2, window_bounds = array<i64: 1024, 4>}, {pipeline_mode = #tpu.pipeline_mode<synchronous>, transform_indices = @transform_3, window_bounds = array<i64: 4>}, {transform_indices = @transform_4, window_bounds = array<i64: 1024, 128>}]} {
    %get3A = arith.constant 0 : index
    %get3A_0 = arith.constant 0 : index
    %get3A_1 = vector.load %arg2[%get3A, %get3A_0] : memref<1024x1024xf32, #tpu.memory_space<vmem>>, vector<1024x1024xf32>
    %get3A_2 = arith.constant 0 : index
    %get3A_3 = arith.constant 0 : index
    %get3A_4 = vector.load %arg4[%get3A_2, %get3A_3] : memref<1024x4xf32, #tpu.memory_space<vmem>>, vector<1024x4xf32>
    %dot_general3A = arith.constant dense<0.000000e+00> : vector<1024x4xf32>
    %dot_general3A_5 = tpu.matmul %get3A_1, %get3A_4, %dot_general3A {dimension_numbers = #tpu.dot_dimension_numbers<[1], [0], [0], [1], [0, 0, 1, 1], [], []>, transpose_lhs_hint = false} : vector<1024x1024xf32>, vector<1024x4xf32>, vector<1024x4xf32> -> vector<1024x4xf32>
    %get3A_6 = arith.constant 0 : index
    %get3A_7 = vector.load %arg5[%get3A_6] : memref<4xf32, #tpu.memory_space<vmem>>, vector<4xf32>
    %broadcast_in_dim3A = vector.shape_cast %get3A_7 : vector<4xf32> to vector<1x4xf32>
    %add3A = vector.broadcast %broadcast_in_dim3A : vector<1x4xf32> to vector<1024x4xf32>
    %add3A_8 = arith.addf %dot_general3A_5, %add3A : vector<1024x4xf32>
    %exp3A = math.exp %add3A_8 : vector<1024x4xf32>
    %reduce_sum3A = arith.constant dense<0.000000e+00> : vector<1024xf32>
    %reduce_sum3A_9 = vector.multi_reduction <add>, %exp3A, %reduce_sum3A [1] : vector<1024x4xf32> to vector<1024xf32>
    %broadcast_in_dim3A_10 = vector.shape_cast %reduce_sum3A_9 : vector<1024xf32> to vector<1024x1xf32>
    %div3A = vector.broadcast %broadcast_in_dim3A_10 : vector<1024x1xf32> to vector<1024x4xf32>
    %div3A_11 = arith.divf %exp3A, %div3A : vector<1024x4xf32>
    %get3A_12 = arith.constant 0 : index
    %get3A_13 = arith.constant 0 : index
    %get3A_14 = arith.constant 0 : index
    %get3A_15 = vector.load %arg3[%get3A_12, %get3A_13, %get3A_14] : memref<1x4x128xf32, #tpu.memory_space<vmem>>, vector<1x4x128xf32>
    %get3A_16 = vector.shape_cast %get3A_15 : vector<1x4x128xf32> to vector<4x128xf32>
    %dot_general3A_17 = arith.constant dense<0.000000e+00> : vector<1024x128xf32>
    %dot_general3A_18 = tpu.matmul %div3A_11, %get3A_16, %dot_general3A_17 {dimension_numbers = #tpu.dot_dimension_numbers<[1], [0], [0], [1], [0, 0, 1, 1], [], []>, transpose_lhs_hint = false} : vector<1024x4xf32>, vector<4x128xf32>, vector<1024x128xf32> -> vector<1024x128xf32>
    %swap3A = arith.constant 0 : index
    %swap3A_19 = arith.constant 0 : index
    %swap3A_20 = vector.load %arg6[%swap3A, %swap3A_19] : memref<1024x128xf32, #tpu.memory_space<vmem>>, vector<1024x128xf32>
    tpu.vector_store %arg6[%swap3A, %swap3A_19], %dot_general3A_18 {strides = array<i32>} : memref<1024x128xf32, #tpu.memory_space<vmem>>, vector<1024x128xf32>,
    return
  }
  func.func @transform_0(%arg0: i32, %arg1: memref<1xi32, #tpu.memory_space<smem>>) -> (i32, i32) {
    %add3A = arith.constant 2 : i32
    %add3A_0 = arith.addi %add3A, %arg0 : i32
    %c0_i32 = arith.constant 0 : i32
    %c0_i32_1 = arith.constant 0 : i32
    return %add3A_0, %c0_i32 : i32, i32
  }
  func.func @transform_1(%arg0: i32, %arg1: memref<1xi32, #tpu.memory_space<smem>>) -> (i32, i32, i32) {
    %get3A = arith.constant 0 : index
    %get3A_0 = memref.load %arg1[%get3A] : memref<1xi32, #tpu.memory_space<smem>>
    %c0_i32 = arith.constant 0 : i32
    %c0_i32_1 = arith.constant 0 : i32
    %c0_i32_2 = arith.constant 0 : i32
    return %get3A_0, %c0_i32, %c0_i32_1 : i32, i32, i32
  }
  func.func @transform_2(%arg0: i32, %arg1: memref<1xi32, #tpu.memory_space<smem>>) -> (i32, i32) {
    %c0_i32 = arith.constant 0 : i32
    %c0_i32_0 = arith.constant 0 : i32
    %c0_i32_1 = arith.constant 0 : i32
    return %c0_i32, %c0_i32_0 : i32, i32
  }
  func.func @transform_3(%arg0: i32, %arg1: memref<1xi32, #tpu.memory_space<smem>>) -> i32 {
    %c0_i32 = arith.constant 0 : i32
    %c0_i32_0 = arith.constant 0 : i32
    return %c0_i32 : i32
  }
  func.func @transform_4(%arg0: i32, %arg1: memref<1xi32, #tpu.memory_space<smem>>) -> (i32, i32) {
    %c0_i32 = arith.constant 0 : i32
    %c0_i32_0 = arith.constant 0 : i32
    return %arg0, %c0_i32 : i32, i32
  }
}

</mosaic_0001>

<sc_bundles>
// kernel: kernel.4.cloned.1.call-start
scs
__scs_entry_jumppad:
0x0: {  	(pc) =	sbr.rel $0x88, $3  }
0x1: {  	(tag) =	ssettag $0x0;
	lr =	simm.s32 $0x1  }
0x2: {  	[smem:$0x3F9C] =	sst lr;
	_ =	strace $0xD0000000  }
0x3: {  	_ = 	snop  }
0x4: {  	_ = 	snop  }
0x5: {  	_ = 	snop  }
0x6: {  	_ = 	snop  }
0x7: {  	_ = 	snop  }
__scs_overlays_trampoline_lowered:
0x8: {  	[smem:$0x3FAB] =	sst s0  }
0x9: {  	[smem:$0x3FAC] =	sst s1  }
0xa: {  	[smem:$0x3FAD] =	sst s2  }
0xb: {  	[smem:$0x3FAE] =	sst s3  }
0xc: {  	[smem:$0x3FAF] =	sst s4  }
0xd: {  	[smem:$0x3FB0] =	sst s5  }
0xe: {  	[smem:$0x3FB1] =	sst s6  }
0xf: {  	[smem:$0x3FB2] =	sst s7  }
0x10: {  	[smem:$0x3FB3] =	sst s8  }
0x11: {  	[smem:$0x3FB4] =	sst s9;
	s0 =	simm.s32 @!p0 $0x0  }
0x12: {  	s1 =	sld [smem:$0x3F9A];
	s0 =	simm.s32 @p0 $0x1  }
0x13: {  	[smem:$0x3FB5] =	sst s0;
	s0 =	simm.s32 @!p1 $0x0  }
0x14: {  	s2 =	sld [smem:$0x3F99];
	s0 =	simm.s32 @p1 $0x1  }
0x15: {  	[smem:$0x3FB6] =	sst s0;
	s0 =	simm.s32 @!p2 $0x0  }
0x16: {  	s3 =	sld [smem:$0x3FDB];
	s0 =	simm.s32 @p2 $0x1  }
0x17: {  	s4 =	simm.s32 $0x1BF5;
	[smem:$0x3FB8] =	sst s0  }
0x18: {  	s0 =	sld [smem:$0x3F9B];
	_ =	swait.ge [sflag:s4], $0x0  }
0x19: {  	s7 =	sld [smem:$0x3F9C]  }
0x1a: {  	s8 =	sadd.s32 $0xFFFFE003, lr  }
0x1b: {  	s9 =	sadd.s32 $0xFFFFFEF7, lr;
	s5 =	simm.s32 $0xFFFFFFFF;
	p2 =	slt.u32 s8, $0xFFFFF086  }
0x1c: {  	p1 =	slt.u32 s9, $0xF7A;
	s5 =	simm.s32 @!p2 $0x0  }
0x1d: {  	s5 =	simm.s32 @p1 $0x1;
	p0 =	seq.s32 s7, s2  }
0x1e: {  	s7 =	smul.u32 @!p0 $0xF7A, s2;
	p2 =	seq.s32 @!p0 s5, $0x0  }
0x1f: {  	s9 =	smul.u32 $0xF7A, s1;
	s8 =	simm.s32 @!p0 $0x1BF5;
	p2 =	por !p2, p0  }
0x20: {  	[sflag:s8] =	ssyncset.s32 @!p0 $0xFFFFF086;
	s6 =	sadd.s32 @!p0 s3, s7;
	s7 =	simm.s32 @!p0 $0x108  }
0x21: {  	s3 =	sadd.s32 s3, s9;
	s6 =	sadd.s32 @!p0 $0x88, s6;
	s7 =	simm.s32 @p2 $0x1082  }
0x22: {  	[simem:s7], [sflag:s8] =	dma.local @!p0 [hbm:s6], $0xF7A  }
0x23: {  	s9 =	sor.u32 $0xD0000000, s2;
	s6 =	simm.s32 $0x108;
	_ =	swait.ge @!p0 [sflag:s8], $0x0  }
0x24: {  	s3 =	sadd.s32 $0x88, s3;
	s6 =	simm.s32 @!p1 $0x1082;
	[sflag:s4] =	ssyncset.s32 $0xFFFFF086  }
0x25: {  	[simem:s6], [sflag:s4] =	dma.local [hbm:s3], $0xF7A  }
0x26: {  	[smem:$0x3F9C] =	sst s1;
	(tag) =	ssettag s2;
	_ =	strace s9  }
0x27: {  	s1 =	sld [smem:$0x3FAC]  }
0x28: {  	s2 =	sld [smem:$0x3FAD]  }
0x29: {  	s4 =	sld [smem:$0x3FAF]  }
0x2a: {  	p0 =	seq.s32 s5, $0x0;
	s5 =	sld [smem:$0x3FB0]  }
0x2b: {  	s6 =	sld [smem:$0x3FB1]  }
0x2c: {  	s7 =	sld [smem:$0x3FB2]  }
0x2d: {  	s3 =	simm.s32 $0x108;
	s8 =	sld [smem:$0x3FB3]  }
0x2e: {  	s3 =	simm.s32 @!p0 $0x1082;
	s9 =	sld [smem:$0x3FB4]  }
0x2f: {  	lr =	sadd.s32 s0, s3;
	s0 =	sld [smem:$0x3FAB]  }
0x30: {  	s3 =	sld [smem:$0x3FAE]  }
0x31: {  	[smem:$0x3FB7] =	sst s10  }
0x32: {  	s10 =	sld [smem:$0x3FB5];
	_ =	sdelay $0x3  }
0x33: {  	p0 =	seq.s32 s10, $0x1;
	s10 =	sld [smem:$0x3FB7];
	_ =	sdelay $0x3  }
0x34: {  	[smem:$0x3FB7] =	sst s10  }
0x35: {  	s10 =	sld [smem:$0x3FB6];
	_ =	sdelay $0x3  }
0x36: {  	p1 =	seq.s32 s10, $0x1;
	s10 =	sld [smem:$0x3FB7];
	_ =	sdelay $0x3  }
0x37: {  	[smem:$0x3FB7] =	sst s10  }
0x38: {  	s10 =	sld [smem:$0x3FB8]  }
0x39: {  	_ = 	snop;
	(pc) =	sbr.ind lr, $3  }
0x3a: {  	_ = 	snop  }
0x3b: {  	_ = 	snop  }
0x3c: {  	p2 =	seq.s32 s10, $0x1;
	s10 =	sld [smem:$0x3FB7]  }
0x3d: {  	_ =	shalt  }
0x3e: {  	_ =	shalt  }
0x3f: {  	_ =	shalt  }
0x40: {  	_ =	shalt  }
0x41: {  	_ =	shalt  }
0x42: {  	_ =	shalt  }
0x43: {  	_ =	shalt  }
0x44: {  	_ =	shalt  }
0x45: {  	_ =	shalt  }
0x46: {  	_ =	shalt  }
0x47: {  	_ =	shalt  }
0x48: {  	_ =	shalt  }
0x49: {  	_ =	shalt  }
0x4a: {  	_ =	shalt  }
0x4b: {  	_ =	shalt  }
0x4c: {  	_ =	shalt  }
0x4d: {  	_ =	shalt  }
0x4e: {  	_ =	shalt  }
0x4f: {  	_ =	shalt  }
0x50: {  	_ =	shalt  }
0x51: {  	_ =	shalt  }
0x52: {  	_ =	shalt  }
0x53: {  	_ =	shalt  }
0x54: {  	_ =	shalt  }
0x55: {  	_ =	shalt  }
0x56: {  	_ =	shalt  }
0x57: {  	_ =	shalt  }
0x58: {  	_ =	shalt  }
0x59: {  	_ =	shalt  }
0x5a: {  	_ =	shalt  }
0x5b: {  	_ =	shalt  }
0x5c: {  	_ =	shalt  }
0x5d: {  	_ =	shalt  }
0x5e: {  	_ =	shalt  }
0x5f: {  	_ =	shalt  }
0x60: {  	_ =	shalt  }
0x61: {  	_ =	shalt  }
0x62: {  	_ =	shalt  }
0x63: {  	_ =	shalt  }
0x64: {  	_ =	shalt  }
0x65: {  	_ =	shalt  }
0x66: {  	_ =	shalt  }
0x67: {  	_ =	shalt  }
0x68: {  	_ =	shalt  }
0x69: {  	_ =	shalt  }
0x6a: {  	_ =	shalt  }
0x6b: {  	_ =	shalt  }
0x6c: {  	_ =	shalt  }
0x6d: {  	_ =	shalt  }
0x6e: {  	_ =	shalt  }
0x6f: {  	_ =	shalt  }
0x70: {  	_ =	shalt  }
0x71: {  	_ =	shalt  }
0x72: {  	_ =	shalt  }
0x73: {  	_ =	shalt  }
0x74: {  	_ =	shalt  }
0x75: {  	_ =	shalt  }
0x76: {  	_ =	shalt  }
0x77: {  	_ =	shalt  }
0x78: {  	_ =	shalt  }
0x79: {  	_ =	shalt  }
0x7a: {  	_ =	shalt  }
0x7b: {  	_ =	shalt  }
0x7c: {  	_ =	shalt  }
0x7d: {  	_ =	shalt  }
0x7e: {  	_ =	shalt  }
0x7f: {  	_ =	shalt  }
0x80: {  	_ =	shalt  }
0x81: {  	_ =	shalt  }
0x82: {  	_ =	shalt  }
0x83: {  	_ =	shalt  }
0x84: {  	_ =	shalt  }
0x85: {  	_ =	shalt  }
0x86: {  	_ =	shalt  }
0x87: {  	_ =	shalt  }
.Lfunc_end0:
.L_simem_size_0:
called_computation_lowered:
.L_overlay_start_0:
0x88: {  	s2 =	sld [smem:$0x3FD9]  }
0x89: {  	s3 =	sld [smem:$0x3FFE];
	_ =	sdelay $0x1  }
0x8a: {  	s1 =	srdreg.scid  }
0x8b: {  	s0 =	sand.u32 $0x1, s1  }
0x8c: {  	s16 =	sshll.u32 s0, $0xA;
	s2 =	sadd.s32 s3, s2  }
0x8d: {  	s2 =	sadd.s32 s2, s16  }
0x8e: {  	[smem:$0x3FC3] =	sst s2  }
0x8f: {  	_ = 	snop  }
0x90: {  	(tm) =	ssettm $0x1  }
0x91: {  	s17 =	sld [smem:$0x3FFB];
	_ =	sdelay $0x3  }
0x92: {  	_ =	strace s17  }
0x93: {  	s2 =	sld [smem:$0x3FFC];
	_ =	sdelay $0x3  }
0x94: {  	_ =	strace s2  }
0x95: {  	s2 =	sld [smem:$0x3FFD];
	_ =	sdelay $0x3  }
0x96: {  	_ =	strace s2  }
0x97: {  	_ =	strace $0x8FFFFFFF  }
0x98: {  	s18 =	sld [smem:$0x3FDB];
	_ =	sdelay $0x1  }
0x99: {  	s19 =	simm.s32 $_scs_section_size  }
0x9a: {  	s4 =	simm.s32 $_size__tile_overlayer_lowered;
	s5 =	simm.s32 $_tile_overlayer_lowered  }
0x9b: {  	s22 =	simm.s32 $0x1BFF;
	s21 =	sshll.u32 s5, $0x1;
	s2 =	sadd.s32 s19, s18  }
0x9c: {  	s6 =	simm.s32 $0x0;
	s20 =	sshll.u32 s4, $0x1;
	s4 =	sadd.s32 s21, s2  }
0x9d: {  	[timem:s6], [sflag:s22] =	dma.local [hbm:s4], s20  }
0x9e: {  	_ =	swait.ge [sflag:s22], s20  }
0x9f: {  	s3 =	ssub.s32 $0x0, s20;
	[sflag:s22] =	ssyncset.done $0x0  }
0xa0: {  	[sflag:s22] =	ssyncadd.s32 s3;
	_ =	sdelay $0x1  }
0xa1: {  	s23 =	simm.s32 $0x1B8B  }
0xa2: {  	_ =	swait.ge [sflag:s23], $0x1  }
0xa3: {  	[sflag:s23] =	ssyncset.done $0x0  }
0xa4: {  	s25 =	simm.s32 $0x1B8E;
	s24 =	sld [smem:$0x3FFE];
	[sflag:s23] =	ssyncadd.s32 $0xFFFFFFFF  }
0xa5: {  	s26 =	simm.s32 $execute0_lowered;
	[smem:$0x3FD2] =	sst s25  }
0xa6: {  	s4 =	sshll.u32 s26, $0x1;
	_ =	strace $0x80000046;
	[dreg:$0x1] =	wrdreg $0xFFFFFFFF  }
0xa7: {  	s28 =	simm.s32 $_size_execute0_lowered;
	s2 =	sadd.s32 s2, s4;
	[dreg:$0x0] =	wrdreg $0x0  }
0xa8: {  	s4 =	sshll.u32 s28, $0x1;
	[dreg:$0x2] =	wrdreg s2  }
0xa9: {  	[dreg:$0x3] =	wrdreg s4  }
0xaa: {  	[dreg:$0x4] =	wrdreg $0xC0  }
0xab: {  	_ =	task [dreg:s6], $0x5FFFF  }
0xac: {  	[dreg:$0x1] =	wrdreg $0xFFFFFFFF  }
0xad: {  	[dreg:$0x0] =	wrdreg $0x60  }
0xae: {  	[dreg:$0x2] =	wrdreg s24  }
0xaf: {  	[dreg:$0x3] =	wrdreg $0x9  }
0xb0: {  	_ =	task.clear_ibuf [dreg:s6], $0x4FFFF;
	_ =	strace $0x90000046  }
0xb1: {  	s29 =	simm.s32 $0x9;
	_ =	strace $0x80000048  }
0xb2: {  	_ =	swait.ge [sflag:s29], $0x1  }
0xb3: {  	[sflag:s29] =	ssyncadd.s32 $0xFFFFFFFF  }
0xb4: {  	_ =	strace $0x90000048  }
0xb5: {  	_ =	sfence  }
0xb6: {  	s30 =	sld [smem:$0x0];
	_ =	sdelay $0x2  }
0xb7: {  	s31 =	sshll.u32 s1, $0xD;
	s1 =	sshrl.u32 s1, $0x2  }
0xb8: {  	s3 =	sand.u32 $0x4000, s31;
	s1 =	sadd.s32 s1, s30  }
0xb9: {  	s0 =	sor.u32 s3, s0;
	s1 =	sshll.u32 s1, $0x11  }
0xba: {  	s0 =	sor.u32 s1, s0  }
0xbb: {  	s0 =	sadd.s32 $0x8F2B, s0  }
0xbc: {  	[sflag:s0] =	ssyncadd.remote.s32 $0x1  }
0xbd: {  	_ =	sfence.sel $0xFFFF  }
0xbe: {  	[dreg:$0x0] =	wrdreg $0xFFFFFFFF;
	(pc) =	sbr.abs _section_cstart, $3  }
0xbf: {  	[dreg:$0x1] =	wrdreg $0xFFFFFFFF  }
0xc0: {  	_ =	task.clear_ibuf [dreg:s6], $0x2FFFF;
	_ =	strace $0x9FFFFFFF  }
0xc1: {  	(tm) =	ssettm $0x7FFFFFFF  }
tec
execute0_lowered:
.L_overlay_start_1:
0x0: {  	(tag) =	ssettag $0x1  }
0x1: {  	s3 =	rddreg [dreg:$0x0]  }
0x2: {  	s0 =	rddreg [dreg:$0x1];
	s4 =	srdreg.scid  }
0x3: {  	s2 =	simm.s32 $0x0;
	s1 =	stileid.u32;
	s4 =	sand.u32 $0x1, s4  }
0x4: {  	[smem:$0x7FF] =	sst s2;
	s5 =	sshll.u32 s1, $0x7;
	s6 =	sshll.u32 s4, $0x6  }
0x5: {  	s8 =	simm.s32 $0x0;
	_ =	strace $0x80000047;
	s5 =	sor.u32 s6, s5  }
0x6: {  	s4 =	ssub.s32 $0x2, s4;
	s6 =	sshll.u32 s5, $0x7;
	s5 =	sshll.u32 s5, $0x4  }
0x7: {  	s7 =	sshrl.u32 s4, $0x1;
	s6 =	sadd.s32 s6, s3;
	s5 =	sadd.s32 s5, s3  }
0x8: {  	s7 =	ssub.s32 s4, s7;
	s3 =	sadd.s32 $0xC00, s6;
	s4 =	sadd.s32 $0x80C00, s5  }
0x9: {  	s5 =	smax.u32 s7, $0x1;
	s6 =	simm.s32 $0x1;
	s7 =	simm.s32 $0x10200  }
.LBB2_1:
0xa: {  	s9 =	simm.s32 $0x80  }
0xb: {  	s12 =	sadd.s32 $0x0, s3;
	s10 =	simm.s32 $0x408;
	s11 =	simm.s32 $0x0  }
.LBB2_2:
0xc: {  	[tilespmem:s11], [sflag:$0x1] =	stream.linear.gather [hbm4b:s12+s2], $0x400, $0x38;
	[tilespmem:$0x12200] =	vst v63  }
0xd: {  	s12 =	smov.u32 s9;
	s11 =	smov.u32 s10;
	p0 =	sne.s32 s9, $0x1F80  }
.Ltmp0:
0xe: {  	s9 =	sadd.s32 $0x80, s9;
	(pc) =	sbr.rel @p0 .LBB2_2-.Ltmp0, $2  }
0xf: {  	_ =	sdelay $0x2  }
0x10: {  	s10 =	sadd.s32 $0x408, s10;
	s12 =	sadd.s32 s12, s3  }
0x11: {  	[tilespmem:s11], [sflag:$0x1] =	stream.linear.gather [hbm4b:s12+s2], $0x400, $0x38;
	[tilespmem:$0x12200] =	vst v63  }
0x12: {  	s8 =	sadd.s32 $0x1, s8;
	_ =	swait.ge [sflag:s6], $0x10000  }
0x13: {  	p0 =	sne.s32 s8, s5;
	[sflag:s6] =	ssyncset.done $0x0  }
.Ltmp1:
0x14: {  	[sflag:s6] =	ssyncadd.s32 $0xFFFF0000;
	(pc) =	sbr.rel @p0 .LBB2_1-.Ltmp1, $4  }
0x15: {  	[hbm4b:s4+s2] =	stream.linear.scatter [tilespmem:s7], [sflag:$0x1], $0x2000, $0x38;
	[tilespmem:$0x12200] =	vst v63  }
0x16: {  	_ =	swait.ge [sflag:s6], $0x2000  }
0x17: {  	[sflag:s6] =	ssyncset.done $0x0  }
0x18: {  	[sflag:s6] =	ssyncadd.s32 $0xFFFFE000  }
0x19: {  	_ =	sfence.sel $0x180000  }
0x1a: {  	[bflag:$0x0] =	sbarrier.arrive $0xFFFF  }
0x1b: {  	p0 =	sne.s32 s1, $0x0;
	_ =	strace $0x90000047  }
0x1c: {  	s0 =	sadd.s32 @!p0 $0x100000, s0;
	[bflag:$0x2] =	sbarrier.arrive $0xFFFF  }
0x1d: {  	[sflag:s0] =	ssyncadd.tile.s32 @!p0 $0x1;
	_ =	shalt  }
.Lfunc_end2:
_tile_overlayer_lowered:
.L_overlay_start_2:
0x1e: {  	(tag) =	ssettag $0x2  }
0x1f: {  	s0 =	rddreg [dreg:$0x0];
	s2 =	stileid.u32  }
0x20: {  	s1 =	rddreg [dreg:$0x1];
	p0 =	sne.s32 s2, $0x0  }
0x21: {  	s3 =	rddreg [dreg:$0x2];
	[bflag:$0x3] =	sbarrier.arrive $0xFFFF;
	s2 =	simm.s32 @!p0 $0x1C01  }
0x22: {  	[timem:s3], [sflag:s2] =	dma.local @!p0 [hbm:s0], s1  }
0x23: {  	s0 =	simm.s32 @!p0 $0x1  }
0x24: {  	_ =	swait.ge @!p0 [sflag:s0], s1  }
0x25: {  	s1 =	ssub.s32 @!p0 $0x0, s1;
	[sflag:s0] =	ssyncset.done @!p0 $0x0  }
0x26: {  	[sflag:s0] =	ssyncadd.s32 @!p0 s1  }
0x27: {  	[bflag:$0x3] =	sbarrier.arrive $0xFFFF  }
0x28: {  	_ =	shalt  }

</sc_bundles>
